<compile_context>
chip_gen: v7x
topology: tpu7x:2x2x1
jax: 0.10.2.dev20260603
libtpu: 0.0.44.dev20260713+nightly
codegen_flags: <defaults>
</compile_context>

<pallas_src>
import jax
import jax.numpy as jnp
import numpy as np
from jax.experimental import pallas as pl

_BS = 16
_A = 3
_C = 80
_ATTRS = 5 + _C
_H = 76
_W = 76
_HW = _H * _W
_STRIDE = 8.0
_ANCHORS = np.array([[116.0, 90.0], [156.0, 198.0], [373.0, 326.0]],
                    dtype=np.float32)
_SCALED = _ANCHORS / _STRIDE


def _decode_kernel(x_ref, o_ref):
    a = pl.program_id(1)
    x = x_ref[0, 0].reshape(_ATTRS, _HW)
    s = jax.nn.sigmoid(x)

    col = jax.lax.broadcasted_iota(jnp.int32, (1, _HW), 1)
    gx = (col % _W).astype(jnp.float32)
    gy = (col // _W).astype(jnp.float32)

    row0 = (s[0:1, :] + gx) * _STRIDE
    row1 = (s[1:2, :] + gy) * _STRIDE

    aw = jnp.where(a == 0, _ANCHORS[0, 0],
                   jnp.where(a == 1, _ANCHORS[1, 0], _ANCHORS[2, 0]))
    ah = jnp.where(a == 0, _ANCHORS[0, 1],
                   jnp.where(a == 1, _ANCHORS[1, 1], _ANCHORS[2, 1]))
    row2 = jnp.exp(x[2:3, :]) * aw
    row3 = jnp.exp(x[3:4, :]) * ah

    r = jnp.concatenate([row0, row1, row2, row3, s[4:, :]], axis=0)
    o_ref[0, 0] = r.T


def kernel(input):
    x = input.reshape(_BS, _A, _ATTRS, _H, _W)
    out = pl.pallas_call(
        _decode_kernel,
        grid=(_BS, _A),
        in_specs=[
            pl.BlockSpec((1, 1, _ATTRS, _H, _W), lambda b, a: (b, a, 0, 0, 0)),
        ],
        out_specs=pl.BlockSpec((1, 1, _HW, _ATTRS), lambda b, a: (b, a, 0, 0)),
        out_shape=jax.ShapeDtypeStruct((_BS, _A, _HW, _ATTRS), jnp.float32),
    )(x)
    return out.reshape(_BS, _A * _HW, _ATTRS)

# --- scband reference (transcript-rebuilt; emitter-appended) ---
"""Pipeline reference for scband-yololoss-37160057045515 (READ-ONLY COPY).

The authoritative reference and input builder live on the scoring server;
editing this copy changes nothing except your own understanding.
"""

import jax, jax.numpy as jnp
import numpy as np

BS = 16
A = 3
C = 80
ATTRS = 5 + C
H = 76
W = 76
IMG = 608
ANCHORS = np.array([[116.0, 90.0], [156.0, 198.0], [373.0, 326.0]], dtype=np.float32)


def setup_inputs(seed: int = 0) -> dict:
    key = jax.random.key(seed)
    inp = jax.random.normal(key, (BS, A * ATTRS, H, W), dtype=jnp.float32)
    return {"input": inp}


def reference(input) -> jnp.ndarray:
    bs = input.shape[0]
    in_h = input.shape[2]
    in_w = input.shape[3]
    stride_h = IMG / in_h
    stride_w = IMG / in_w
    scaled_anchors = jnp.asarray(ANCHORS) / jnp.array([stride_w, stride_h], dtype=jnp.float32)
    prediction = input.reshape(bs, A, ATTRS, in_h, in_w).transpose(0, 1, 3, 4, 2)
    x = jax.nn.sigmoid(prediction[..., 0])
    y = jax.nn.sigmoid(prediction[..., 1])
    w = prediction[..., 2]
    h = prediction[..., 3]
    conf = jax.nn.sigmoid(prediction[..., 4])
    pred_cls = jax.nn.sigmoid(prediction[..., 5:])
    grid_x = jnp.broadcast_to(jnp.arange(in_w, dtype=jnp.float32)[None, None, None, :], (bs, A, in_h, in_w))
    grid_y = jnp.broadcast_to(jnp.arange(in_h, dtype=jnp.float32)[None, None, :, None], (bs, A, in_h, in_w))
    anchor_w = scaled_anchors[:, 0].reshape(1, A, 1, 1)
    anchor_h = scaled_anchors[:, 1].reshape(1, A, 1, 1)
    bx = x + grid_x
    by = y + grid_y
    bw = jnp.exp(w) * anchor_w
    bh = jnp.exp(h) * anchor_h
    pred_boxes = jnp.stack([bx, by, bw, bh], axis=-1)
    _scale = jnp.array([stride_w, stride_h, stride_w, stride_h], dtype=jnp.float32)
    output = jnp.concatenate(
        (
            pred_boxes.reshape(bs, -1, 4) * _scale,
            conf.reshape(bs, -1, 1),
            pred_cls.reshape(bs, -1, C),
        ),
        axis=-1,
    )
    return output

if __name__ == "__main__":
    import jax
    _d = setup_inputs()
    print(jax.jit(kernel)(*tuple(_d.values())))

</pallas_src>

<mosaic_0001>
module attributes {stable_mosaic.version = 14 : i64} {
  func.func @_decode_kernel(%arg0: i32, %arg1: i32, %arg2: memref<1x1x85x76x76xf32, #tpu.memory_space<vmem>>, %arg3: memref<1x1x5776x85xf32, #tpu.memory_space<vmem>>) attributes {dimension_semantics = [#tpu.dimension_semantics<arbitrary>, #tpu.dimension_semantics<arbitrary>], iteration_bounds = array<i64: 16, 3>, scalar_prefetch = 0 : i64, scratch_operands = 0 : i64, tpu.core_type = #tpu.core_type<tc>, window_params = [{transform_indices = @transform_0, window_bounds = array<i64: 1, 1, 85, 76, 76>}, {transform_indices = @transform_1, window_bounds = array<i64: 1, 1, 5776, 85>}]} {
    %get3A = arith.constant 0 : index
    %get3A_0 = arith.constant 0 : index
    %get3A_1 = arith.constant 0 : index
    %get3A_2 = arith.constant 0 : index
    %get3A_3 = arith.constant 0 : index
    %get3A_4 = vector.load %arg2[%get3A, %get3A_0, %get3A_1, %get3A_2, %get3A_3] : memref<1x1x85x76x76xf32, #tpu.memory_space<vmem>>, vector<1x1x85x76x76xf32>
    %get3A_5 = vector.shape_cast %get3A_4 : vector<1x1x85x76x76xf32> to vector<85x76x76xf32>
    %reshape3A = vector.shape_cast %get3A_5 : vector<85x76x76xf32> to vector<85x5776xf32>
    %logistic3A = arith.negf %reshape3A : vector<85x5776xf32>
    %logistic3A_6 = math.exp %logistic3A : vector<85x5776xf32>
    %logistic3A_7 = arith.constant 1.000000e+00 : f32
    %logistic3A_8 = vector.broadcast %logistic3A_7 : f32 to vector<85x5776xf32>
    %logistic3A_9 = arith.addf %logistic3A_8, %logistic3A_6 : vector<85x5776xf32>
    %logistic3A_10 = arith.divf %logistic3A_8, %logistic3A_9 : vector<85x5776xf32>
    %iota3A = tpu.iota {dimensions = array<i32: 1>} : vector<1x5776xi32>
    %jit3A = arith.constant 76 : i32
    %eq3A = arith.constant 0 : i32
    %eq3A_11 = arith.cmpi eq, %jit3A, %eq3A : i32
    %jit3A_12 = arith.constant 1 : i32
    %select_n3A = arith.select %eq3A_11, %jit3A_12, %jit3A : i32
    %rem3A = vector.broadcast %select_n3A : i32 to vector<1x5776xi32>
    %rem3A_13 = arith.remsi %iota3A, %rem3A : vector<1x5776xi32>
    %ne3A = arith.constant 0 : i32
    %ne3A_14 = vector.broadcast %ne3A : i32 to vector<1x5776xi32>
    %ne3A_15 = arith.cmpi ne, %rem3A_13, %ne3A_14 : vector<1x5776xi32>
    %lt3A = arith.constant 0 : i32
    %lt3A_16 = vector.broadcast %lt3A : i32 to vector<1x5776xi32>
    %lt3A_17 = arith.cmpi slt, %rem3A_13, %lt3A_16 : vector<1x5776xi32>
    %lt3A_18 = arith.constant 0 : i32
    %lt3A_19 = arith.cmpi slt, %select_n3A, %lt3A_18 : i32
    %ne3A_20 = vector.broadcast %lt3A_19 : i1 to vector<1x5776xi1>
    %ne3A_21 = vector.broadcast %ne3A_20 : vector<1x5776xi1> to vector<1x5776xi1>
    %ne3A_22 = arith.xori %lt3A_17, %ne3A_21 : vector<1x5776xi1>
    %and3A = arith.andi %ne3A_22, %ne3A_15 : vector<1x5776xi1>
    %add3A = vector.broadcast %select_n3A : i32 to vector<1x5776xi32>
    %add3A_23 = arith.addi %rem3A_13, %add3A : vector<1x5776xi32>
    %select_n3A_24 = arith.select %and3A, %add3A_23, %rem3A_13 : vector<1x5776xi1>, vector<1x5776xi32>
    %convert_element_type3A = arith.sitofp %select_n3A_24 : vector<1x5776xi32> to vector<1x5776xf32>
    %jit3A_25 = arith.constant 76 : i32
    %div3A = vector.broadcast %jit3A_25 : i32 to vector<1x5776xi32>
    %div3A_26 = arith.divsi %iota3A, %div3A : vector<1x5776xi32>
    %sign3A = arith.constant 0 : i32
    %sign3A_27 = vector.broadcast %sign3A : i32 to vector<1x5776xi32>
    %sign3A_28 = arith.cmpi sgt, %iota3A, %sign3A_27 : vector<1x5776xi32>
    %sign3A_29 = arith.extui %sign3A_28 : vector<1x5776xi1> to vector<1x5776xi32>
    %sign3A_30 = arith.constant 0 : i32
    %sign3A_31 = vector.broadcast %sign3A_30 : i32 to vector<1x5776xi32>
    %sign3A_32 = arith.cmpi slt, %iota3A, %sign3A_31 : vector<1x5776xi32>
    %sign3A_33 = arith.extui %sign3A_32 : vector<1x5776xi1> to vector<1x5776xi32>
    %sign3A_34 = arith.subi %sign3A_29, %sign3A_33 : vector<1x5776xi32>
    %sign3A_35 = arith.constant 0 : i32
    %sign3A_36 = arith.cmpi sgt, %jit3A_25, %sign3A_35 : i32
    %sign3A_37 = arith.extui %sign3A_36 : i1 to i32
    %sign3A_38 = arith.constant 0 : i32
    %sign3A_39 = arith.cmpi slt, %jit3A_25, %sign3A_38 : i32
    %sign3A_40 = arith.extui %sign3A_39 : i1 to i32
    %sign3A_41 = arith.subi %sign3A_37, %sign3A_40 : i32
    %ne3A_42 = vector.broadcast %sign3A_41 : i32 to vector<1x5776xi32>
    %ne3A_43 = arith.cmpi ne, %sign3A_34, %ne3A_42 : vector<1x5776xi32>
    %rem3A_44 = vector.broadcast %jit3A_25 : i32 to vector<1x5776xi32>
    %rem3A_45 = arith.remsi %iota3A, %rem3A_44 : vector<1x5776xi32>
    %ne3A_46 = arith.constant 0 : i32
    %ne3A_47 = vector.broadcast %ne3A_46 : i32 to vector<1x5776xi32>
    %ne3A_48 = arith.cmpi ne, %rem3A_45, %ne3A_47 : vector<1x5776xi32>
    %and3A_49 = arith.andi %ne3A_43, %ne3A_48 : vector<1x5776xi1>
    %sub3A = arith.constant 1 : i32
    %sub3A_50 = vector.broadcast %sub3A : i32 to vector<1x5776xi32>
    %sub3A_51 = arith.subi %div3A_26, %sub3A_50 : vector<1x5776xi32>
    %select_n3A_52 = arith.select %and3A_49, %sub3A_51, %div3A_26 : vector<1x5776xi1>, vector<1x5776xi32>
    %convert_element_type3A_53 = arith.sitofp %select_n3A_52 : vector<1x5776xi32> to vector<1x5776xf32>
    %slice3A = vector.extract_strided_slice %logistic3A_10 {offsets = [0, 0], sizes = [1, 5776], strides = [1, 1]} : vector<85x5776xf32> to vector<1x5776xf32>
    %add3A_54 = arith.addf %slice3A, %convert_element_type3A : vector<1x5776xf32>
    %mul3A = arith.constant 8.000000e+00 : f32
    %mul3A_55 = vector.broadcast %mul3A : f32 to vector<1x5776xf32>
    %mul3A_56 = arith.mulf %add3A_54, %mul3A_55 : vector<1x5776xf32>
    %slice3A_57 = vector.extract_strided_slice %logistic3A_10 {offsets = [1, 0], sizes = [1, 5776], strides = [1, 1]} : vector<85x5776xf32> to vector<1x5776xf32>
    %add3A_58 = arith.addf %slice3A_57, %convert_element_type3A_53 : vector<1x5776xf32>
    %mul3A_59 = arith.constant 8.000000e+00 : f32
    %mul3A_60 = vector.broadcast %mul3A_59 : f32 to vector<1x5776xf32>
    %mul3A_61 = arith.mulf %add3A_58, %mul3A_60 : vector<1x5776xf32>
    %eq3A_62 = arith.constant 0 : i32
    %eq3A_63 = arith.cmpi eq, %arg1, %eq3A_62 : i32
    %eq3A_64 = arith.constant 1 : i32
    %eq3A_65 = arith.cmpi eq, %arg1, %eq3A_64 : i32
    %jit3A_66 = arith.constant 1.560000e+02 : f32
    %jit3A_67 = arith.constant 3.730000e+02 : f32
    %select_n3A_68 = arith.select %eq3A_65, %jit3A_66, %jit3A_67 : f32
    %jit3A_69 = arith.constant 1.160000e+02 : f32
    %select_n3A_70 = arith.select %eq3A_63, %jit3A_69, %select_n3A_68 : f32
    %eq3A_71 = arith.constant 0 : i32
    %eq3A_72 = arith.cmpi eq, %arg1, %eq3A_71 : i32
    %eq3A_73 = arith.constant 1 : i32
    %eq3A_74 = arith.cmpi eq, %arg1, %eq3A_73 : i32
    %jit3A_75 = arith.constant 1.980000e+02 : f32
    %jit3A_76 = arith.constant 3.260000e+02 : f32
    %select_n3A_77 = arith.select %eq3A_74, %jit3A_75, %jit3A_76 : f32
    %jit3A_78 = arith.constant 9.000000e+01 : f32
    %select_n3A_79 = arith.select %eq3A_72, %jit3A_78, %select_n3A_77 : f32
    %slice3A_80 = vector.extract_strided_slice %reshape3A {offsets = [2, 0], sizes = [1, 5776], strides = [1, 1]} : vector<85x5776xf32> to vector<1x5776xf32>
    %exp3A = math.exp %slice3A_80 : vector<1x5776xf32>
    %mul3A_81 = vector.broadcast %select_n3A_70 : f32 to vector<1x5776xf32>
    %mul3A_82 = arith.mulf %exp3A, %mul3A_81 : vector<1x5776xf32>
    %slice3A_83 = vector.extract_strided_slice %reshape3A {offsets = [3, 0], sizes = [1, 5776], strides = [1, 1]} : vector<85x5776xf32> to vector<1x5776xf32>
    %exp3A_84 = math.exp %slice3A_83 : vector<1x5776xf32>
    %mul3A_85 = vector.broadcast %select_n3A_79 : f32 to vector<1x5776xf32>
    %mul3A_86 = arith.mulf %exp3A_84, %mul3A_85 : vector<1x5776xf32>
    %slice3A_87 = vector.extract_strided_slice %logistic3A_10 {offsets = [4, 0], sizes = [81, 5776], strides = [1, 1]} : vector<85x5776xf32> to vector<81x5776xf32>
    %concatenate3A = tpu.concatenate %mul3A_56, %mul3A_61, %mul3A_82, %mul3A_86, %slice3A_87 in 0 : vector<1x5776xf32>, vector<1x5776xf32>, vector<1x5776xf32>, vector<1x5776xf32>, vector<81x5776xf32> -> vector<85x5776xf32>
    %transpose3A = tpu.transpose %concatenate3A, [1, 0] : vector<85x5776xf32> -> vector<5776x85xf32>
    %swap3A = arith.constant 0 : index
    %swap3A_88 = arith.constant 0 : index
    %swap3A_89 = arith.constant 0 : index
    %swap3A_90 = arith.constant 0 : index
    %swap3A_91 = vector.load %arg3[%swap3A, %swap3A_88, %swap3A_89, %swap3A_90] : memref<1x1x5776x85xf32, #tpu.memory_space<vmem>>, vector<1x1x5776x85xf32>
    %swap3A_92 = vector.shape_cast %swap3A_91 : vector<1x1x5776x85xf32> to vector<5776x85xf32>
    %swap3A_93 = vector.shape_cast %transpose3A : vector<5776x85xf32> to vector<1x1x5776x85xf32>
    tpu.vector_store %arg3[%swap3A, %swap3A_88, %swap3A_89, %swap3A_90], %swap3A_93 {strides = array<i32>} : memref<1x1x5776x85xf32, #tpu.memory_space<vmem>>, vector<1x1x5776x85xf32>,
    return
  }
  func.func @transform_0(%arg0: i32, %arg1: i32) -> (i32, i32, i32, i32, i32) {
    %c0_i32 = arith.constant 0 : i32
    %c0_i32_0 = arith.constant 0 : i32
    %c0_i32_1 = arith.constant 0 : i32
    %c0_i32_2 = arith.constant 0 : i32
    return %arg0, %arg1, %c0_i32, %c0_i32_0, %c0_i32_1 : i32, i32, i32, i32, i32
  }
  func.func @transform_1(%arg0: i32, %arg1: i32) -> (i32, i32, i32, i32) {
    %c0_i32 = arith.constant 0 : i32
    %c0_i32_0 = arith.constant 0 : i32
    %c0_i32_1 = arith.constant 0 : i32
    return %arg0, %arg1, %c0_i32, %c0_i32_0 : i32, i32, i32, i32
  }
}

</mosaic_0001>

<sc_bundles>
// kernel: sparse-core-data-format-call.cloned.1.call-start
scs
called_computation_lowered:
.L_overlay_start_0:
0x0: {  	s2 =	sld [smem:$0x3FD9]  }
0x1: {  	s3 =	sld [smem:$0x3FFE];
	_ =	sdelay $0x1  }
0x2: {  	s1 =	srdreg.scid  }
0x3: {  	s0 =	sand.u32 $0x1, s1  }
0x4: {  	s18 =	sshll.u32 s0, $0xA;
	s2 =	sadd.s32 s3, s2  }
0x5: {  	s2 =	sadd.s32 s2, s18  }
0x6: {  	[smem:$0x3FC7] =	sst s2  }
0x7: {  	_ = 	snop  }
0x8: {  	s2 =	sld [smem:$0x3FD0];
	(tm) =	ssettm $0x1  }
0x9: {  	s19 =	sld [smem:$0x3FFB];
	_ =	sdelay $0x3  }
0xa: {  	_ =	strace s19  }
0xb: {  	s3 =	sld [smem:$0x3FFC];
	_ =	sdelay $0x3  }
0xc: {  	_ =	strace s3  }
0xd: {  	s3 =	sld [smem:$0x3FFD];
	_ =	sdelay $0x3  }
0xe: {  	_ =	strace s3  }
0xf: {  	_ =	strace $0x8FFFFFFF  }
0x10: {  	s20 =	sld [smem:$0x3FDB];
	_ =	sdelay $0x1  }
0x11: {  	s4 =	simm.s32 $_scs_section_size  }
0x12: {  	s5 =	simm.s32 $_size__tile_overlayer_lowered;
	s6 =	simm.s32 $_tile_overlayer_lowered  }
0x13: {  	s23 =	simm.s32 $0x1BFF;
	s22 =	sshll.u32 s6, $0x1;
	s3 =	sadd.s32 s4, s20  }
0x14: {  	s7 =	simm.s32 $0x0;
	s21 =	sshll.u32 s5, $0x1;
	s5 =	sadd.s32 s22, s3  }
0x15: {  	[timem:s7], [sflag:s23] =	dma.local [hbm:s5], s21  }
0x16: {  	_ =	swait.ge [sflag:s23], s21  }
0x17: {  	s4 =	ssub.s32 $0x0, s21;
	[sflag:s23] =	ssyncset.done $0x0  }
0x18: {  	[sflag:s23] =	ssyncadd.s32 s4;
	_ =	sdelay $0x1  }
0x19: {  	s24 =	simm.s32 $0x1B8B  }
0x1a: {  	_ =	swait.ge [sflag:s24], $0x1  }
0x1b: {  	[sflag:s24] =	ssyncset.done $0x0  }
0x1c: {  	s26 =	simm.s32 $0x1B8E;
	s25 =	sld [smem:$0x3FFE];
	[sflag:s24] =	ssyncadd.s32 $0xFFFFFFFF  }
0x1d: {  	s27 =	simm.s32 $execute0_lowered;
	[smem:$0x3FD2] =	sst s26  }
0x1e: {  	s5 =	sshll.u32 s27, $0x1;
	_ =	strace $0x80000046;
	[dreg:$0x1] =	wrdreg $0xFFFFFFFF  }
0x1f: {  	s28 =	simm.s32 $_size_execute0_lowered;
	s3 =	sadd.s32 s3, s5;
	[dreg:$0x0] =	wrdreg $0x0  }
0x20: {  	s5 =	sshll.u32 s28, $0x1;
	[dreg:$0x2] =	wrdreg s3  }
0x21: {  	[dreg:$0x3] =	wrdreg s5  }
0x22: {  	[dreg:$0x4] =	wrdreg $0xC0  }
0x23: {  	_ =	task [dreg:s7], $0x5FFFF  }
0x24: {  	[dreg:$0x1] =	wrdreg $0xFFFFFFFF  }
0x25: {  	[dreg:$0x0] =	wrdreg $0x60  }
0x26: {  	[dreg:$0x2] =	wrdreg s25  }
0x27: {  	[dreg:$0x3] =	wrdreg s2  }
0x28: {  	[dreg:$0x4] =	wrdreg $0x9  }
0x29: {  	_ =	task.clear_ibuf [dreg:s7], $0x5FFFF;
	_ =	strace $0x90000046  }
0x2a: {  	s29 =	simm.s32 $0x9;
	_ =	strace $0x80000048  }
0x2b: {  	_ =	swait.ge [sflag:s29], $0x1  }
0x2c: {  	[sflag:s29] =	ssyncadd.s32 $0xFFFFFFFF  }
0x2d: {  	_ =	strace $0x90000048  }
0x2e: {  	_ =	sfence  }
0x2f: {  	s30 =	sld [smem:$0x0];
	_ =	sdelay $0x2  }
0x30: {  	s31 =	sshll.u32 s1, $0xD;
	s1 =	sshrl.u32 s1, $0x2  }
0x31: {  	s3 =	sand.u32 $0x4000, s31;
	s1 =	sadd.s32 s1, s30  }
0x32: {  	s0 =	sor.u32 s3, s0;
	s1 =	sshll.u32 s1, $0x11  }
0x33: {  	s0 =	sor.u32 s1, s0  }
0x34: {  	s0 =	sadd.s32 $0x8F2B, s0  }
0x35: {  	[sflag:s0] =	ssyncadd.remote.s32 $0x1  }
0x36: {  	_ =	sfence.sel $0xFFFF  }
0x37: {  	[dreg:$0x0] =	wrdreg $0xFFFFFFFF;
	(pc) =	sbr.abs _section_cstart, $3  }
0x38: {  	[dreg:$0x1] =	wrdreg $0xFFFFFFFF  }
0x39: {  	_ =	task.clear_ibuf [dreg:s7], $0x2FFFF;
	_ =	strace $0x9FFFFFFF  }
0x3a: {  	(tm) =	ssettm $0x7FFFFFFF  }
0x3b: {  	_ =	shalt  }
tec
execute0_lowered:
.L_overlay_start_1:
0x0: {  	(tag) =	ssettag $0x1  }
0x1: {  	s0 =	rddreg [dreg:$0x0];
	_ =	strace $0x80000047  }
0x2: {  	s17 =	stileid.u32;
	s31 =	srdreg.scid;
	s4 =	simm.s32 $0x1  }
.Ltmp0:
0x3: {  	s2 =	simm.s32 $0x2;
	s12 =	simm.s32 $0x0;
	(pc) =	sbr.rel .LBB1_1-.Ltmp0, $4  }
0x4: {  	s13 =	simm.s32 $0x0;
	s8 =	simm.s32 $0x0;
	s10 =	simm.s32 $0x0  }
0x5: {  	s11 =	stileid.u32;
	s3 =	sadd.s32 $0x4FB400, s0;
	s0 =	sshll.u32 s31, $0x7  }
0x6: {  	s7 =	simm.s32 $0x0;
	[sflag:s4] =	ssyncpa.u1 $0x0;
	s5 =	sand.u32 $0x80, s0  }
0x7: {  	s21 =	simm.s32 $0x0;
	[sflag:s2] =	ssyncpa.u1 $0x0;
	s9 =	smov.u32 s5  }
.LBB1_11:
0x8: {  	s0 =	sshrl.u32 s10, $0x3;
	s1 =	sshll.u32 s8, $0x3  }
0x9: {  	s2 =	sshll.u32 s10, $0x7;
	s6 =	sand.u32 $0x7F, s8;
	s0 =	smul.u32 $0x22000, s0  }
0xa: {  	p0 =	sgt.s32 s8, $0x4380;
	s1 =	sand.u32 $0xFFFFFC00, s1;
	s2 =	sand.u32 $0x380, s2  }
0xb: {  	s27 =	sor.u32 s6, s2;
	s2 =	smov.u32 s8;
	s0 =	sadd.s32 s0, s1  }
0xc: {  	s2 =	simm.s32 @!p0 $0x4380;
	s1 =	sor.u32 s0, s27  }
0xd: {  	s2 =	sadd.s32 s15, s2;
	s28 =	smulhi.u32 $0xF0F0F0F1, s1  }
0xe: {  	s29 =	rddreg [dreg:$0x1];
	s0 =	smulhi.u32 $0xF0F0F0F1, s0;
	s15 =	sadd.s32 $0xFFFFBC80, s2  }
0xf: {  	s2 =	ssub.s32 $0x4400, s2;
	p0 =	sgt.s32 s15, $0x7F;
	s6 =	sshrl.u32 s28, $0xE  }
0x10: {  	s0 =	sshrl.u32 s0, $0xE;
	s2 =	simm.s32 @p0 $0x0;
	s6 =	smul.u32 $0x4400, s6  }
0x11: {  	s30 =	sor.u32 $0x8000, s16;
	s0 =	sand.u32 $0xF, s0;
	s2 =	smul.u32 s2, s14  }
0x12: {  	s31 =	simm.s32 $0x44000;
	s0 =	smul.u32 $0x880, s0;
	s1 =	ssub.s32 s1, s6  }
0x13: {  	s2 =	smul.u32 $0x55, s2;
	s6 =	sshrl.u32 s1, $0x3;
	s1 =	sand.u32 $0x7, s1  }
0x14: {  	s17 =	stileid.u32;
	s6 =	sadd.s32 s29, s6;
	s1 =	sshll.u32 s1, $0x12  }
0x15: {  	s2 =	sand.u32 $0x3FFFFFFF, s2;
	s0 =	sadd.s32 s0, s6;
	s1 =	sor.u32 $0x80, s1  }
0x16: {  	[hbm4b:s0+s1] =	stream.strided.scatter [tilespmem:s30], [sflag:$0x2], s2, s31, s1, $0x20;
	[tilespmem:$0x10100] =	vst v63  }
.LBB1_12:
0x17: {  	p0 =	slt.u32 s7, $0x2  }
0x18: {  	s1 =	smov.u32 s13;
	s2 =	smov.u32 s12;
	p1 =	sgt.s32 @!p0 s13, $0xF  }
0x19: {  	s0 =	sshra.s32 @!p0 s13, $0x1F;
	p2 =	sgt.s32 @!p0 s12, $0x4380;
	s6 =	sshra.s32 @!p0 s12, $0x1F  }
0x1a: {  	p1 =	por !p1, p0;
	s0 =	sand.u32 @!p0 s0, s13;
	p2 =	por !p2, p0  }
0x1b: {  	s6 =	sand.u32 @!p0 s6, s12;
	s1 =	simm.s32 @p1 $0xF;
	s2 =	simm.s32 @p2 $0x4380  }
0x1c: {  	s0 =	ssub.s32 @!p0 s1, s0;
	s1 =	ssub.s32 @!p0 s2, s6  }
0x1d: {  	s2 =	sadd.s32 @!p0 $0xFFFFFFF1, s0;
	s0 =	ssub.s32 @!p0 $0x10, s0;
	s6 =	sadd.s32 @!p0 $0xFFFFBC80, s1  }
0x1e: {  	p1 =	sgt.s32 @!p0 s2, $0x0;
	s0 =	smul.u32 @!p0 $0x55, s0;
	p2 =	sgt.s32 @!p0 s6, $0x7F  }
0x1f: {  	s1 =	ssub.s32 @!p0 $0x4400, s1;
	p1 =	por !p1, p0;
	p2 =	por !p2, p0  }
0x20: {  	s0 =	simm.s32 @!p1 $0x0;
	s1 =	simm.s32 @!p2 $0x0  }
0x21: {  	s0 =	smul.u32 @!p0 s1, s0;
	s1 =	sadd.s32 $0x100, s9  }
0x22: {  	s14 =	smov.u32 s11;
	s6 =	sadd.s32 $0x10, s11;
	p1 =	sgt.s32 s1, $0x43AF  }
0x23: {  	s14 =	smov.u32 @p1 s6  }
0x24: {  	s7 =	sadd.s32 $0x1, s7;
	s1 =	smov.u32 @p1 s5;
	p1 =	sgt.s32 s14, $0xF  }
0x25: {  	s14 =	smov.u32 @p1 s17;
	p1 =	sne.s32 s7, $0x46  }
.Ltmp1:
0x26: {  	_ = 	snop;
	(pc) =	sbr.rel @!p1 .LBB1_13-.Ltmp1, $4  }
0x27: {  	s12 =	smov.u32 s8;
	s2 =	simm.s32 @!p0 $0x2;
	s0 =	sand.u32 @!p0 $0x3FFFFFFF, s0  }
0x28: {  	s13 =	smov.u32 s10;
	s8 =	smov.u32 s9;
	_ =	swait.ge @!p0 [sflag:s2], s0  }
0x29: {  	s10 =	smov.u32 s11;
	s0 =	ssub.s32 @!p0 $0x0, s0;
	[sflag:s2] =	ssyncset.done @!p0 $0x0  }
0x2a: {  	s9 =	smov.u32 s1;
	[sflag:s2] =	ssyncadd.s32 @!p0 s0;
	s11 =	smov.u32 s14  }
.LBB1_1:
0x2b: {  	p0 =	sgt.u32 s7, $0x43;
	s2 =	smov.u32 s11  }
0x2c: {  	s15 =	smov.u32 s9;
	p1 =	sgt.s32 @!p0 s11, $0xF;
	s0 =	sand.u32 @!p0 $0x1FFFFFF, s9  }
0x2d: {  	s14 =	sshra.s32 @!p0 s11, $0x1F;
	s16 =	sshra.s32 @!p0 s9, $0x1F;
	p1 =	por !p1, p0  }
0x2e: {  	s6 =	smulhi.u32 @!p0 $0x7906DB, s0;
	s2 =	simm.s32 @p1 $0xF;
	p1 =	sgt.s32 @!p0 s9, $0x4330  }
0x2f: {  	s14 =	sand.u32 @!p0 s14, s11;
	s16 =	sand.u32 @!p0 s16, s9;
	p1 =	por !p1, p0  }
0x30: {  	s2 =	ssub.s32 @!p0 s2, s14;
	s6 =	sshrl.u32 @!p0 s6, $0x5;
	s15 =	simm.s32 @p1 $0x4330  }
0x31: {  	s2 =	sadd.s32 @!p0 $0xFFFFFFF1, s2;
	s6 =	smul.u32 @!p0 $0x43B0, s6;
	s14 =	ssub.s32 @!p0 s15, s16  }
0x32: {  	p1 =	sgt.s32 @!p0 s2, $0x0;
	s2 =	sshll.u32 @!p0 s2, $0x7;
	s15 =	sadd.s32 @!p0 $0xFFFFBCD0, s14  }
0x33: {  	s16 =	smul.u32 @!p0 $0x43B00, s11;
	s14 =	ssub.s32 @!p0 $0x43B0, s14;
	p2 =	sgt.s32 @!p0 s15, $0x7F  }
0x34: {  	s2 =	ssub.s32 @!p0 $0x80, s2;
	p1 =	por !p1, p0;
	p2 =	por !p2, p0  }
0x35: {  	s15 =	sxor.u32 @!p0 $0xFFFFFFFF, s7;
	s2 =	simm.s32 @!p1 $0x0;
	s14 =	simm.s32 @!p2 $0x0  }
0x36: {  	s0 =	ssub.s32 @!p0 s0, s6;
	s6 =	sshll.u32 @!p0 s15, $0xE;
	s2 =	smul.u32 @!p0 s14, s2  }
0x37: {  	s0 =	sshll.u32 @!p0 s0, $0x4;
	s6 =	sand.u32 @!p0 $0x4000, s6;
	s14 =	sadd.s32 @!p0 s3, s16  }
0x38: {  	s0 =	sadd.s32 @!p0 s0, s14;
	s14 =	simm.s32 @!p0 $0x0;
	s2 =	sand.u32 @!p0 $0x3FFFFF80, s2  }
0x39: {  	[tilespmem:s6], [sflag:$0x1] =	stream.linear.gather @!p0 [hbm4b:s0+s14], s2, $0x38;
	[tilespmem:$0x10100] =	vst v63  }
0x3a: {  	p0 =	seq.s32 s7, $0x0  }
0x3b: {  	p1 =	seq.s32 @!p0 s7, $0x45  }
0x3c: {  	p0 =	por p0, p1  }
.Ltmp2:
0x3d: {  	_ = 	snop;
	(pc) =	sbr.rel @p0 .LBB1_12-.Ltmp2, $1  }
0x3e: {  	_ =	sdelay $0x3  }
0x3f: {  	p0 =	sgt.s32 s10, $0xF  }
0x40: {  	s0 =	smov.u32 s10;
	s2 =	sshra.s32 s10, $0x1F;
	s6 =	ssub.s32 $0x0, s8  }
0x41: {  	s14 =	sshra.s32 s8, $0x1F;
	s0 =	simm.s32 @!p0 $0xF;
	s2 =	sand.u32 s2, s10  }
0x42: {  	s16 =	smov.u32 s8;
	p0 =	sgt.s32 s8, $0x4330;
	s0 =	ssub.s32 s0, s2  }
0x43: {  	s15 =	sand.u32 s6, s14;
	s16 =	simm.s32 @!p0 $0x4330;
	s2 =	sadd.s32 $0xFFFFFFF1, s0  }
0x44: {  	s6 =	sadd.s32 s15, s16;
	s14 =	ssub.s32 $0x10, s0;
	p0 =	sgt.s32 s2, $0x0  }
0x45: {  	s30 =	sadd.s32 $0xFFFFBCD0, s6;
	s0 =	ssub.s32 $0x43B0, s6;
	s2 =	sadd.s32 $0x1, s10  }
0x46: {  	s6 =	sadd.s32 $0x80, s8;
	s14 =	simm.s32 @p0 $0x0;
	p0 =	slt.s32 s2, $0x10  }
0x47: {  	s2 =	simm.s32 @!p0 $0x10;
	p0 =	slt.s32 s6, $0x43B0  }
0x48: {  	p1 =	sgt.s32 s30, $0x7F;
	s17 =	ssub.s32 s2, s10;
	s6 =	simm.s32 @!p0 $0x43B0  }
0x49: {  	s0 =	simm.s32 @p1 $0x0;
	s18 =	ssub.s32 s6, s8;
	p0 =	slt.s32 s17, $0x1  }
0x4a: {  	s0 =	smul.u32 s0, s14;
	p1 =	slt.s32 @!p0 s18, $0x1  }
0x4b: {  	p1 =	por p0, p1  }
.Ltmp3:
0x4c: {  	s0 =	sshll.u32 s0, $0x7;
	(pc) =	sbr.rel @p1 .LBB1_11-.Ltmp3, $4  }
0x4d: {  	s31 =	sand.u32 $0x3FFFFF80, s0  }
0x4e: {  	_ =	swait.ge [sflag:s4], s31  }
0x4f: {  	s0 =	sand.u32 $0x1, s7;
	s2 =	ssub.s32 $0x0, s31;
	[sflag:s4] =	ssyncset.done $0x0  }
0x50: {  	s16 =	smul.u32 $0x4080, s0;
	[sflag:s4] =	ssyncadd.s32 s2  }
0x51: {  	_ = 	snop  }
0x52: {  	s19 =	sshll.u32 @!p0 s0, $0xE;
	s22 =	simm.s32 $0x0;
	s20 =	sor.u32 @!p0 $0x8000, s16  }
.LBB1_4:
0x53: {  	s0 =	sshll.u32 s22, $0x10  }
0x54: {  	s0 =	sshra.s32 s0, $0x2  }
0x55: {  	s0 =	sadd.s32 s0, s19  }
0x56: {  	v0 =	vmov s0;
	_ =	sdelay $0x2  }
0x57: {  	s30 =	sand.u32 $0x7, s22  }
0x58: {  	s31 =	sand.u32 $0x3F80, s21;
	p1 =	sne.s32 s18, $0x1;
	s0 =	smul.u32 $0x204, s30  }
.Ltmp4:
0x59: {  	v11 =	vld.idx.msk [tilespmem:v0+s31+$0x0 ss:$0x1], $0xffff;
	(pc) =	sbr.rel @!p1 .LBB1_5-.Ltmp4, $4  }
0x5a: {  	s2 =	simm.s32 $0x1;
	s0 =	sshrl.u32 s0, $0x2;
	v8 =	vld.idx.msk [tilespmem:v0+s31+$0x10 ss:$0x1], $0xffff  }
0x5b: {  	s6 =	simm.s32 $0x80;
	p0 =	por $0x0, $0x0;
	s28 =	sadd.s32 s0, s20;
	v9 =	vld.idx.msk [tilespmem:v0+s31+$0x20 ss:$0x1], $0xffff  }
0x5c: {  	s0 =	sand.u32 $0x7F, s21;
	s26 =	sadd.s32 $0x810, s28;
	s27 =	sadd.s32 $0x1020, s28;
	v10 =	vld.idx.msk [tilespmem:v0+s31+$0x30 ss:$0x1], $0xffff  }
0x5d: {  	s25 =	sadd.s32 $0x1830, s28;
	s24 =	sadd.s32 $0x2040, s28;
	s23 =	sadd.s32 $0x2850, s28;
	v7 =	vld.idx.msk [tilespmem:v0+s31+$0x40 ss:$0x1], $0xffff  }
0x5e: {  	_ =	sdelay $0x3  }
0x5f: {  	s30 =	sand.u32 $0x3F80, s6;
	s1 =	sadd.s32 s0, s28;
	v1 =	vld.idx.msk [tilespmem:v0+s31+$0x50 ss:$0x1], $0xffff;
	p1 =	sne.s32 s18, $0x2  }
.Ltmp5:
0x60: {  	v2 =	vld.idx.msk [tilespmem:v0+s30+$0x0 ss:$0x1], $0xffff;
	[tilespmem:s1+$0x0 ss:$0x81] =	vst.msk $0xffff, v11;
	s1 =	sadd.s32 s0, s26;
	(pc) =	sbr.rel @!p1 .LBB1_7-.Ltmp5, $4  }
0x61: {  	v3 =	vld.idx.msk [tilespmem:v0+s30+$0x10 ss:$0x1], $0xffff;
	[tilespmem:s1+$0x0 ss:$0x81] =	vst.msk $0xffff, v8;
	s1 =	sadd.s32 s0, s27  }
0x62: {  	v4 =	vld.idx.msk [tilespmem:v0+s30+$0x20 ss:$0x1], $0xffff;
	[tilespmem:s1+$0x0 ss:$0x81] =	vst.msk $0xffff, v9;
	s1 =	sadd.s32 s0, s25  }
0x63: {  	s31 =	simm.s32 $0x2;
	s29 =	sand.u32 $0x7F, s2;
	v5 =	vld.idx.msk [tilespmem:v0+s30+$0x30 ss:$0x1], $0xffff;
	[tilespmem:s1+$0x0 ss:$0x81] =	vst.msk $0xffff, v10;
	s1 =	sadd.s32 s0, s24  }
0x64: {  	s2 =	simm.s32 $0x100;
	s6 =	sadd.s32 s0, s23;
	p0 =	por $0x1, $0x1;
	v6 =	vld.idx.msk [tilespmem:v0+s30+$0x40 ss:$0x1], $0xffff;
	[tilespmem:s1+$0x0 ss:$0x81] =	vst.msk $0xffff, v7  }
.LBB1_8:
0x65: {  	s1 =	smov.u32 s31;
	s31 =	sadd.s32 $0x1, s31  }
0x66: {  	s0 =	sadd.s32 s29, s28;
	[tilespmem:s6+$0x0 ss:$0x81] =	vst.msk $0xffff, v1;
	v1 =	vld.idx.msk [tilespmem:v0+s30+$0x50 ss:$0x1], $0xffff;
	s30 =	sand.u32 $0x3F80, s2;
	p1 =	sne.s32 s18, s31  }
.Ltmp6:
0x67: {  	[tilespmem:s0+$0x0 ss:$0x81] =	vst.msk $0xffff, v2;
	v2 =	vld.idx.msk [tilespmem:v0+s30+$0x0 ss:$0x1], $0xffff;
	s0 =	sadd.s32 s29, s26;
	(pc) =	sbr.rel @p1 .LBB1_8-.Ltmp6, $4  }
0x68: {  	[tilespmem:s0+$0x0 ss:$0x81] =	vst.msk $0xffff, v3;
	v3 =	vld.idx.msk [tilespmem:v0+s30+$0x10 ss:$0x1], $0xffff;
	s0 =	sadd.s32 s29, s27  }
0x69: {  	[tilespmem:s0+$0x0 ss:$0x81] =	vst.msk $0xffff, v4;
	v4 =	vld.idx.msk [tilespmem:v0+s30+$0x20 ss:$0x1], $0xffff;
	s0 =	sadd.s32 s29, s25  }
0x6a: {  	[tilespmem:s0+$0x0 ss:$0x81] =	vst.msk $0xffff, v5;
	v5 =	vld.idx.msk [tilespmem:v0+s30+$0x30 ss:$0x1], $0xffff;
	s0 =	sadd.s32 s29, s24  }
0x6b: {  	s2 =	sadd.s32 $0x80, s2;
	s6 =	sadd.s32 s29, s23;
	s29 =	sand.u32 $0x7F, s1;
	[tilespmem:s0+$0x0 ss:$0x81] =	vst.msk $0xffff, v6;
	v6 =	vld.idx.msk [tilespmem:v0+s30+$0x40 ss:$0x1], $0xffff  }
0x6c: {  	_ =	sdelay $0x3  }
0x6d: {  	s0 =	smov.u32 s29;
	s31 =	smov.u32 s30;
	v11 =	vmovc v2;
	v8 =	vmovc v3;
	v9 =	vmov v4;
	v10 =	vmov v5;
	v7 =	vmov v6  }
.LBB1_10:
0x6e: {  	_ =	sdelay $0x2  }
0x6f: {  	s1 =	sadd.s32 s0, s28;
	[tilespmem:s6+$0x0 ss:$0x81] =	vst.msk @p0 $0xffff, v1;
	s22 =	sadd.s32 $0x1, s22  }
0x70: {  	v0 =	vld.idx.msk [tilespmem:v0+s31+$0x50 ss:$0x1], $0xffff;
	s26 =	sadd.s32 s0, s26;
	[tilespmem:s1+$0x0 ss:$0x81] =	vst.msk $0xffff, v11;
	p0 =	sne.s32 s22, s17  }
.Ltmp7:
0x71: {  	s28 =	sadd.s32 s0, s27;
	[tilespmem:s26+$0x0 ss:$0x81] =	vst.msk $0xffff, v8;
	(pc) =	sbr.rel @p0 .LBB1_4-.Ltmp7, $4  }
.Ltmp8:
0x72: {  	s29 =	sadd.s32 s0, s25;
	[tilespmem:s28+$0x0 ss:$0x81] =	vst.msk $0xffff, v9;
	(pc) =	sbr.rel @!p0 .LBB1_11-.Ltmp8, $4  }
0x73: {  	s30 =	sadd.s32 s0, s24;
	[tilespmem:s29+$0x0 ss:$0x81] =	vst.msk $0xffff, v10  }
0x74: {  	s31 =	sadd.s32 s0, s23;
	[tilespmem:s30+$0x0 ss:$0x81] =	vst.msk $0xffff, v7  }
0x75: {  	[tilespmem:s31+$0x0 ss:$0x81] =	vst.msk $0xffff, v0  }
0x76: {  	_ = 	snop  }
.LBB1_5:
.Ltmp9:
0x77: {  	(pc) =	sbr.rel .LBB1_10-.Ltmp9, $2  }
0x78: {  	_ =	sdelay $0x2  }
0x79: {  	_ = 	snop  }
.LBB1_7:
.Ltmp10:
0x7a: {  	_ = 	snop;
	(pc) =	sbr.rel .LBB1_10-.Ltmp10, $2  }
0x7b: {  	_ =	sdelay $0x2  }
0x7c: {  	s0 =	smov.u32 s29;
	s31 =	smov.u32 s30;
	v11 =	vmovc v2;
	v8 =	vmovc v3;
	v9 =	vmov v4;
	v10 =	vmov v5;
	v7 =	vmov v6  }
.LBB1_13:
0x7d: {  	_ =	sfence.sel $0x180000  }
0x7e: {  	s0 =	simm.s32 $0x1;
	[bflag:$0x0] =	sbarrier.arrive $0xFFFF  }
0x7f: {  	s31 =	simm.s32 $0x2;
	[sflag:s0] =	ssyncpa.u1 $0x1  }
0x80: {  	[sflag:s31] =	ssyncpa.u1 $0x1  }
0x81: {  	_ =	strace $0x90000047  }
0x82: {  	[bflag:$0x2] =	sbarrier.arrive $0xFFFF  }
0x83: {  	p0 =	sne.s32 s17, $0x0;
	s0 =	rddreg [dreg:$0x2]  }
0x84: {  	s0 =	sadd.s32 @!p0 $0x100000, s0  }
0x85: {  	[sflag:s0] =	ssyncadd.tile.s32 @!p0 $0x1;
	_ =	shalt  }
.Lfunc_end1:
_tile_overlayer_lowered:
.L_overlay_start_2:
0x86: {  	(tag) =	ssettag $0x2  }
0x87: {  	s0 =	rddreg [dreg:$0x0];
	s2 =	stileid.u32  }
0x88: {  	s1 =	rddreg [dreg:$0x1];
	p0 =	sne.s32 s2, $0x0  }
0x89: {  	s3 =	rddreg [dreg:$0x2];
	[bflag:$0x3] =	sbarrier.arrive $0xFFFF;
	s2 =	simm.s32 @!p0 $0x1C01  }
0x8a: {  	[timem:s3], [sflag:s2] =	dma.local @!p0 [hbm:s0], s1  }
0x8b: {  	s0 =	simm.s32 @!p0 $0x1  }
0x8c: {  	_ =	swait.ge @!p0 [sflag:s0], s1  }
0x8d: {  	s1 =	ssub.s32 @!p0 $0x0, s1;
	[sflag:s0] =	ssyncset.done @!p0 $0x0  }
0x8e: {  	[sflag:s0] =	ssyncadd.s32 @!p0 s1  }
0x8f: {  	[bflag:$0x3] =	sbarrier.arrive $0xFFFF  }
0x90: {  	_ =	shalt  }

</sc_bundles>
